<compile_context>
chip_gen: v7x
topology: tpu7x:2x2x1
jax: 0.10.2.dev20260603
libtpu: 0.0.44.dev20260713+nightly
codegen_flags: <defaults>
</compile_context>

<pallas_src>
import functools

import jax
import jax.numpy as jnp
from jax import lax
from jax.experimental import pallas as pl
from jax.experimental.pallas import tpu as pltpu
from jax.experimental.pallas import tpu_sc as plsc

_NC = 2
_NS = 16
_NW = _NC * _NS

_G = 128
_KG = 2


def _sc_gather(table, ids2d, n_rows, h):
    rows_per_w = n_rows // _NW
    rows_per_it = _KG * _G
    n_it = rows_per_w // rows_per_it
    assert rows_per_w % rows_per_it == 0
    id_rows_per_w = rows_per_w // _G

    mesh = plsc.VectorSubcoreMesh(
        core_axis_name="c", subcore_axis_name="s",
        num_cores=_NC, num_subcores=_NS)

    @functools.partial(
        pl.kernel,
        out_type=jax.ShapeDtypeStruct((n_rows, h), jnp.float32),
        mesh=mesh,
        scratch_types=[
            pltpu.VMEM((id_rows_per_w, _G), jnp.int32),
            pltpu.VMEM((2 * rows_per_it, h), jnp.float32),
            pltpu.SemaphoreType.DMA,
            pltpu.SemaphoreType.DMA,
        ],
    )
    def gather_kernel(table_hbm, ids_hbm, out_hbm, idx_v, rows_v, sem_g, sem_w):
        wid = lax.axis_index("s") * _NC + lax.axis_index("c")
        row0 = wid * rows_per_w

        pltpu.sync_copy(ids_hbm.at[wid], idx_v)

        def body(g, carry):
            half = (g % 2) * rows_per_it
            @pl.when(g >= 2)
            def _drain():
                pltpu.make_async_copy(
                    rows_v.at[pl.ds(half, rows_per_it)],
                    out_hbm.at[pl.ds(row0, rows_per_it)],
                    sem_w).wait()

            copies = [
                pltpu.async_copy(
                    table_hbm.at[idx_v.at[g * _KG + j]],
                    rows_v.at[pl.ds(half + j * _G, _G)],
                    sem_g)
                for j in range(_KG)
            ]
            for c in copies:
                c.wait()
            pltpu.async_copy(
                rows_v.at[pl.ds(half, rows_per_it)],
                out_hbm.at[pl.ds(row0 + g * rows_per_it, rows_per_it)],
                sem_w)
            return carry

        lax.fori_loop(0, n_it, body, 0)
        for _ in range(2):
            pltpu.make_async_copy(
                rows_v.at[pl.ds(0, rows_per_it)],
                out_hbm.at[pl.ds(row0, rows_per_it)],
                sem_w).wait()

    return gather_kernel(table, ids2d)


def _tc_body(resp_ref, e_ref, wi_ref, wr_ref, b_ref, out_ref, *, k):
    sb = out_ref.shape[0]
    c = lax.broadcasted_iota(jnp.int32, (k, 1), 0).astype(jnp.float32)
    inv = 1.0 / (k - 1)
    bias = b_ref[...]
    wi = wi_ref[...]
    wr = wr_ref[...]
    for s in range(sb):
        es = e_ref[s]
        acc = lax.dot_general(wi, es, (((1,), (1,)), ((), ())),
                              preferred_element_type=jnp.float32)
        rf = resp_ref[s, :].astype(jnp.float32).reshape(1, -1)
        w = jnp.maximum(1.0 - jnp.abs(c - rf) * inv, 0.0)
        acc = acc + lax.dot_general(wr, w, (((1,), (0,)), ((), ())),
                                    preferred_element_type=jnp.float32)
        out_ref[s] = acc + bias


def _tc_project_chunk(e3d, resp_t, w_item, w_resp_w, bias2d, s0, out_prev, sb):
    sc, b, h = e3d.shape
    s_tot = resp_t.shape[0]
    v = w_item.shape[0]
    k = w_resp_w.shape[1]
    grid = (sc // sb,)
    sb0 = s0 // sb
    in_specs = [
        pl.BlockSpec((sb, b), lambda i: (i + sb0, 0)),
        pl.BlockSpec((sb, b, h), lambda i: (i, 0, 0)),
        pl.BlockSpec((v, h), lambda i: (0, 0)),
        pl.BlockSpec((v, k), lambda i: (0, 0)),
        pl.BlockSpec((v, 1), lambda i: (0, 0)),
    ]
    args = [resp_t, e3d, w_item, w_resp_w, bias2d]
    aliases = {}
    if out_prev is not None:
        in_specs = [pl.BlockSpec(memory_space=pltpu.MemorySpace.HBM)] + in_specs
        args = [out_prev] + args
        aliases = {0: 0}

    def body(*refs):
        _tc_body(*refs[-6:], k=k)

    return pl.pallas_call(
        body,
        grid=grid,
        in_specs=in_specs,
        out_specs=pl.BlockSpec((sb, v, b), lambda i: (i + sb0, 0, 0)),
        out_shape=jax.ShapeDtypeStruct((s_tot, v, b), jnp.float32),
        input_output_aliases=aliases,
    )(*args)


def kernel(question_ids, responses, item_embed, W_item, W_resp_w, W_resp_b):
    b, s = question_ids.shape
    n = b * s
    q1, h = item_embed.shape
    v = W_item.shape[0]
    k = W_resp_w.shape[1]

    qt = question_ids.T.astype(jnp.int32)
    resp_t = responses.T.astype(jnp.int32)
    bias2d = W_resp_b.reshape(v, 1)
    bounds = [0, s]
    out = None
    for c in range(len(bounds) - 1):
        s0, s1 = bounds[c], bounds[c + 1]
        nc = (s1 - s0) * b
        ids3d = qt[s0:s1].reshape(_NW, nc // (_NW * _G), _G)
        e_c = _sc_gather(item_embed, ids3d, nc, h)
        out = _tc_project_chunk(e_c.reshape(s1 - s0, b, h), resp_t,
                                W_item, W_resp_w, bias2d, s0, out, sb=8)
    return jnp.transpose(out, (2, 0, 1))

# --- scband reference (transcript-rebuilt; emitter-appended) ---
"""Pipeline reference for scband-static-item-embedding-45037027066298 (READ-ONLY COPY).

The authoritative reference and input builder live on the scoring server;
editing this copy changes nothing except your own understanding.
"""

import jax, jax.numpy as jnp
import numpy as np

Q = 1000000
K = 5
V = 64
H = 128
B = 1024
S = 200


def setup_inputs(seed: int = 0) -> dict:
    key = jax.random.key(seed)
    k1, k2, k3, k4, k5 = jax.random.split(key, 5)
    question_ids = jax.random.randint(k1, (B, S), 0, Q + 1)
    responses = jax.random.randint(k2, (B, S), 0, K)
    item_embed = jax.random.normal(k3, (Q + 1, H), dtype=jnp.float32)
    item_embed = item_embed / jnp.linalg.norm(item_embed, axis=-1, keepdims=True)
    item_embed = item_embed.at[0].set(0.0)
    W_item = jax.random.normal(k4, (V, H), dtype=jnp.float32) * (1.0 / np.sqrt(H))
    W_resp_w = jax.random.normal(k5, (V, K), dtype=jnp.float32) * (1.0 / np.sqrt(K))
    W_resp_b = jnp.zeros((V,), dtype=jnp.float32)
    return {
        "question_ids": question_ids,
        "responses": responses,
        "item_embed": item_embed,
        "W_item": W_item,
        "W_resp_w": W_resp_w,
        "W_resp_b": W_resp_b,
    }


def reference(question_ids, responses, item_embed, W_item, W_resp_w, W_resp_b):
    # frozen random item embedding gather: (B, S, H)
    e_item = jnp.take(item_embed, question_ids, axis=0)
    # v_item = W_item @ e_item : (B, S, V)
    v_item = jnp.einsum("bsh,vh->bsv", e_item, W_item)
    # triangular ordinal response weights: (B, S, K)
    k_idx = jnp.arange(K, dtype=jnp.float32).reshape(1, 1, K)
    dist = jnp.abs(k_idx - responses.astype(jnp.float32)[..., None]) / (K - 1)
    w_resp = jnp.maximum(1.0 - dist, 0.0)
    # v_resp = W_resp @ w_resp + b : (B, S, V)
    v_resp = jnp.einsum("bsk,vk->bsv", w_resp, W_resp_w) + W_resp_b
    return v_item + v_resp

if __name__ == "__main__":
    import jax
    _d = setup_inputs()
    print(jax.jit(kernel)(*tuple(_d.values())))

</pallas_src>

<mosaic_0001>
#map = affine_map<(d0, d1) -> (0, 0)>
#map1 = affine_map<(d0, d1) -> (0, 0, 0)>
module attributes {stable_mosaic.version = 14 : i64} {
  func.func @gather_kernel(%arg0: i32, %arg1: i32, %arg2: memref<1000001x128xf32, #tpu.memory_space<hbm>>, %arg3: memref<32x50x128xi32, #tpu.memory_space<hbm>>, %arg4: memref<204800x128xf32, #tpu.memory_space<hbm>>, %arg5: memref<50x128xi32, #tpu.memory_space<vmem>>, %arg6: memref<512x128xf32, #tpu.memory_space<vmem>>, %arg7: memref<!tpu.dma_semaphore, #tpu.memory_space<semaphore_mem>>, %arg8: memref<!tpu.dma_semaphore, #tpu.memory_space<semaphore_mem>>) attributes {dimension_semantics = [#tpu.dimension_semantics<core_parallel>, #tpu.dimension_semantics<subcore_parallel>], iteration_bounds = array<i64: 2, 16>, scalar_prefetch = 0 : i64, scratch_operands = 4 : i64, tpu.core_type = #tpu.core_type<sc_vector_subcore>, window_params = [{transform_indices = #map}, {transform_indices = #map1}, {transform_indices = #map}]} {
    %mul3A = arith.constant 2 : i32
    %mul3A_0 = arith.muli %arg1, %mul3A : i32
    %add3A = arith.addi %mul3A_0, %arg0 : i32
    %mul3A_1 = arith.constant 6400 : i32
    %mul3A_2 = arith.muli %add3A, %mul3A_1 : i32
    "tpu.region"() ({
      %run_scoped3A = tpu.sem_alloc : memref<!tpu.dma_semaphore, #tpu.memory_space<semaphore_mem>>
      %dma_start3A = arith.constant 0 : i32
      %dma_start3A_27 = arith.constant 0 : i32
      %dma_start3A_28 = tpu.memref_slice %arg3[%add3A, %dma_start3A, %dma_start3A_27] : memref<32x50x128xi32, #tpu.memory_space<hbm>> -> memref<1x50x128xi32, #tpu.memory_space<hbm>>
      %dma_start3A_29 = tpu.memref_squeeze %dma_start3A_28 : memref<1x50x128xi32, #tpu.memory_space<hbm>> -> memref<50x128xi32, #tpu.memory_space<hbm>>
      %dma_start3A_30 = arith.constant 0 : i32
      %dma_start3A_31 = arith.constant 0 : i32
      %dma_start3A_32 = tpu.memref_slice %arg3[%add3A, %dma_start3A_30, %dma_start3A_31] : memref<32x50x128xi32, #tpu.memory_space<hbm>> -> memref<1x50x128xi32, #tpu.memory_space<hbm>>
      %dma_start3A_33 = tpu.memref_squeeze %dma_start3A_32 : memref<1x50x128xi32, #tpu.memory_space<hbm>> -> memref<50x128xi32, #tpu.memory_space<hbm>>
      tpu.enqueue_dma source(%dma_start3A_33 : memref<50x128xi32, #tpu.memory_space<hbm>>) target(%arg5 : memref<50x128xi32, #tpu.memory_space<vmem>>) target_semaphore(%run_scoped3A : memref<!tpu.dma_semaphore, #tpu.memory_space<semaphore_mem>>)
      %dma_wait3A_34 = arith.constant 0 : i32
      %dma_wait3A_35 = arith.constant 0 : i32
      %dma_wait3A_36 = tpu.memref_slice %arg3[%add3A, %dma_wait3A_34, %dma_wait3A_35] : memref<32x50x128xi32, #tpu.memory_space<hbm>> -> memref<1x50x128xi32, #tpu.memory_space<hbm>>
      %dma_wait3A_37 = tpu.memref_squeeze %dma_wait3A_36 : memref<1x50x128xi32, #tpu.memory_space<hbm>> -> memref<50x128xi32, #tpu.memory_space<hbm>>
      %dma_wait3A_38 = arith.constant 0 : i32
      %dma_wait3A_39 = arith.constant 0 : i32
      %dma_wait3A_40 = tpu.memref_slice %arg3[%add3A, %dma_wait3A_38, %dma_wait3A_39] : memref<32x50x128xi32, #tpu.memory_space<hbm>> -> memref<1x50x128xi32, #tpu.memory_space<hbm>>
      %dma_wait3A_41 = tpu.memref_squeeze %dma_wait3A_40 : memref<1x50x128xi32, #tpu.memory_space<hbm>> -> memref<50x128xi32, #tpu.memory_space<hbm>>
      tpu.wait_dma2 semaphore(%run_scoped3A : memref<!tpu.dma_semaphore, #tpu.memory_space<semaphore_mem>>) src(%dma_wait3A_41 : memref<50x128xi32, #tpu.memory_space<hbm>>) dst(%arg5 : memref<50x128xi32, #tpu.memory_space<vmem>>)
      tpu.yield
    }) : () -> ()
    %scan3A = arith.constant 0 : i32
    %scan3A_3 = arith.constant 0 : i32
    %scan3A_4 = arith.constant 25 : i32
    %scan3A_5 = arith.addi %scan3A_3, %scan3A_4 : i32
    %scan3A_6 = arith.constant 1 : i32
    scf.for %scan3A_27 = %scan3A_3 to %scan3A_5 step %scan3A_6  : i32 {
      %jit3A = arith.constant 2 : i32
      %eq3A = arith.constant 0 : i32
      %eq3A_28 = arith.cmpi eq, %jit3A, %eq3A : i32
      %jit3A_29 = arith.constant 1 : i32
      %select_n3A = arith.select %eq3A_28, %jit3A_29, %jit3A : i32
      %rem3A = arith.remsi %scan3A_27, %select_n3A : i32
      %ne3A = arith.constant 0 : i32
      %ne3A_30 = arith.cmpi ne, %rem3A, %ne3A : i32
      %lt3A = arith.constant 0 : i32
      %lt3A_31 = arith.cmpi slt, %rem3A, %lt3A : i32
      %lt3A_32 = arith.constant 0 : i32
      %lt3A_33 = arith.cmpi slt, %select_n3A, %lt3A_32 : i32
      %ne3A_34 = arith.xori %lt3A_31, %lt3A_33 : i1
      %and3A = arith.andi %ne3A_34, %ne3A_30 : i1
      %add3A_35 = arith.addi %rem3A, %select_n3A : i32
      %select_n3A_36 = arith.select %and3A, %add3A_35, %rem3A : i32
      %mul3A_37 = arith.constant 256 : i32
      %mul3A_38 = arith.muli %select_n3A_36, %mul3A_37 : i32
      %ge3A = arith.constant 2 : i32
      %ge3A_39 = arith.cmpi sge, %scan3A_27, %ge3A : i32
      %convert_element_type3A = arith.extui %ge3A_39 : i1 to i32
      %cond3A = arith.constant 0 : i32
      %cond3A_40 = arith.cmpi ne, %convert_element_type3A, %cond3A : i32
      scf.if %cond3A_40 {
        %dma_wait3A_95 = arith.constant 0 : i32
        %dma_wait3A_96 = tpu.memref_slice %arg6[%mul3A_38, %dma_wait3A_95] : memref<512x128xf32, #tpu.memory_space<vmem>> -> memref<256x128xf32, #tpu.memory_space<vmem>>
        %dma_wait3A_97 = arith.constant 0 : i32
        %dma_wait3A_98 = tpu.memref_slice %arg4[%mul3A_2, %dma_wait3A_97] : memref<204800x128xf32, #tpu.memory_space<hbm>> -> memref<256x128xf32, #tpu.memory_space<hbm>>
        %dma_wait3A_99 = arith.constant 0 : i32
        %dma_wait3A_100 = tpu.memref_slice %arg4[%mul3A_2, %dma_wait3A_99] : memref<204800x128xf32, #tpu.memory_space<hbm>> -> memref<256x128xf32, #tpu.memory_space<hbm>>
        %dma_wait3A_101 = arith.constant 0 : i32
        %dma_wait3A_102 = tpu.memref_slice %arg6[%mul3A_38, %dma_wait3A_101] : memref<512x128xf32, #tpu.memory_space<vmem>> -> memref<256x128xf32, #tpu.memory_space<vmem>>
        tpu.wait_dma2 semaphore(%arg8 : memref<!tpu.dma_semaphore, #tpu.memory_space<semaphore_mem>>) src(%dma_wait3A_102 : memref<256x128xf32, #tpu.memory_space<vmem>>) dst(%dma_wait3A_100 : memref<256x128xf32, #tpu.memory_space<hbm>>)
      } else {
      }
      %mul3A_41 = arith.constant 2 : i32
      %mul3A_42 = arith.muli %scan3A_27, %mul3A_41 : i32
      %add3A_43 = arith.constant 0 : i32
      %add3A_44 = arith.addi %mul3A_42, %add3A_43 : i32
      %add3A_45 = arith.constant 0 : i32
      %add3A_46 = arith.addi %mul3A_38, %add3A_45 : i32
      %dma_start3A = arith.constant 0 : i32
      %dma_start3A_47 = tpu.memref_slice %arg6[%add3A_46, %dma_start3A] : memref<512x128xf32, #tpu.memory_space<vmem>> -> memref<128x128xf32, #tpu.memory_space<vmem>>
      %dma_start3A_48 = arith.constant 0 : i32
      %dma_start3A_49 = tpu.memref_slice %arg5[%add3A_44, %dma_start3A_48] : memref<50x128xi32, #tpu.memory_space<vmem>> -> memref<1x128xi32, #tpu.memory_space<vmem>>
      %dma_start3A_50 = tpu.memref_squeeze %dma_start3A_49 : memref<1x128xi32, #tpu.memory_space<vmem>> -> memref<128xi32, #tpu.memory_space<vmem>>
      %dma_start3A_51 = arith.constant 0 : i32
      %dma_start3A_52 = arith.constant 0 : i32
      %dma_start3A_53 = tpu.memref_slice %arg2[%dma_start3A_51, %dma_start3A_52] : memref<1000001x128xf32, #tpu.memory_space<hbm>> -> memref<1000001x128xf32, #tpu.memory_space<hbm>>
      tpu.enqueue_indirect_dma source(%dma_start3A_53 : memref<1000001x128xf32, #tpu.memory_space<hbm>>) target(%dma_start3A_47 : memref<128x128xf32, #tpu.memory_space<vmem>>) offsets(%dma_start3A_50 : memref<128xi32, #tpu.memory_space<vmem>>) semaphore(%arg7 : memref<!tpu.dma_semaphore, #tpu.memory_space<semaphore_mem>>)
      %mul3A_54 = arith.constant 2 : i32
      %mul3A_55 = arith.muli %scan3A_27, %mul3A_54 : i32
      %add3A_56 = arith.constant 1 : i32
      %add3A_57 = arith.addi %mul3A_55, %add3A_56 : i32
      %add3A_58 = arith.constant 128 : i32
      %add3A_59 = arith.addi %mul3A_38, %add3A_58 : i32
      %dma_start3A_60 = arith.constant 0 : i32
      %dma_start3A_61 = tpu.memref_slice %arg6[%add3A_59, %dma_start3A_60] : memref<512x128xf32, #tpu.memory_space<vmem>> -> memref<128x128xf32, #tpu.memory_space<vmem>>
      %dma_start3A_62 = arith.constant 0 : i32
      %dma_start3A_63 = tpu.memref_slice %arg5[%add3A_57, %dma_start3A_62] : memref<50x128xi32, #tpu.memory_space<vmem>> -> memref<1x128xi32, #tpu.memory_space<vmem>>
      %dma_start3A_64 = tpu.memref_squeeze %dma_start3A_63 : memref<1x128xi32, #tpu.memory_space<vmem>> -> memref<128xi32, #tpu.memory_space<vmem>>
      %dma_start3A_65 = arith.constant 0 : i32
      %dma_start3A_66 = arith.constant 0 : i32
      %dma_start3A_67 = tpu.memref_slice %arg2[%dma_start3A_65, %dma_start3A_66] : memref<1000001x128xf32, #tpu.memory_space<hbm>> -> memref<1000001x128xf32, #tpu.memory_space<hbm>>
      tpu.enqueue_indirect_dma source(%dma_start3A_67 : memref<1000001x128xf32, #tpu.memory_space<hbm>>) target(%dma_start3A_61 : memref<128x128xf32, #tpu.memory_space<vmem>>) offsets(%dma_start3A_64 : memref<128xi32, #tpu.memory_space<vmem>>) semaphore(%arg7 : memref<!tpu.dma_semaphore, #tpu.memory_space<semaphore_mem>>)
      %dma_wait3A_68 = arith.constant 0 : i32
      %dma_wait3A_69 = tpu.memref_slice %arg6[%add3A_46, %dma_wait3A_68] : memref<512x128xf32, #tpu.memory_space<vmem>> -> memref<128x128xf32, #tpu.memory_space<vmem>>
      %dma_wait3A_70 = arith.constant 0 : i32
      %dma_wait3A_71 = tpu.memref_slice %arg5[%add3A_44, %dma_wait3A_70] : memref<50x128xi32, #tpu.memory_space<vmem>> -> memref<1x128xi32, #tpu.memory_space<vmem>>
      %dma_wait3A_72 = tpu.memref_squeeze %dma_wait3A_71 : memref<1x128xi32, #tpu.memory_space<vmem>> -> memref<128xi32, #tpu.memory_space<vmem>>
      %dma_wait3A_73 = arith.constant 0 : i32
      %dma_wait3A_74 = arith.constant 0 : i32
      %dma_wait3A_75 = tpu.memref_slice %arg2[%dma_wait3A_73, %dma_wait3A_74] : memref<1000001x128xf32, #tpu.memory_space<hbm>> -> memref<1000001x128xf32, #tpu.memory_space<hbm>>
      tpu.wait_indirect_dma semaphore(%arg7 : memref<!tpu.dma_semaphore, #tpu.memory_space<semaphore_mem>>) src(%dma_wait3A_75 : memref<1000001x128xf32, #tpu.memory_space<hbm>>) dst(%dma_wait3A_69 : memref<128x128xf32, #tpu.memory_space<vmem>>)
      %dma_wait3A_76 = arith.constant 0 : i32
      %dma_wait3A_77 = tpu.memref_slice %arg6[%add3A_59, %dma_wait3A_76] : memref<512x128xf32, #tpu.memory_space<vmem>> -> memref<128x128xf32, #tpu.memory_space<vmem>>
      %dma_wait3A_78 = arith.constant 0 : i32
      %dma_wait3A_79 = tpu.memref_slice %arg5[%add3A_57, %dma_wait3A_78] : memref<50x128xi32, #tpu.memory_space<vmem>> -> memref<1x128xi32, #tpu.memory_space<vmem>>
      %dma_wait3A_80 = tpu.memref_squeeze %dma_wait3A_79 : memref<1x128xi32, #tpu.memory_space<vmem>> -> memref<128xi32, #tpu.memory_space<vmem>>
      %dma_wait3A_81 = arith.constant 0 : i32
      %dma_wait3A_82 = arith.constant 0 : i32
      %dma_wait3A_83 = tpu.memref_slice %arg2[%dma_wait3A_81, %dma_wait3A_82] : memref<1000001x128xf32, #tpu.memory_space<hbm>> -> memref<1000001x128xf32, #tpu.memory_space<hbm>>
      tpu.wait_indirect_dma semaphore(%arg7 : memref<!tpu.dma_semaphore, #tpu.memory_space<semaphore_mem>>) src(%dma_wait3A_83 : memref<1000001x128xf32, #tpu.memory_space<hbm>>) dst(%dma_wait3A_77 : memref<128x128xf32, #tpu.memory_space<vmem>>)
      %mul3A_84 = arith.constant 256 : i32
      %mul3A_85 = arith.muli %scan3A_27, %mul3A_84 : i32
      %add3A_86 = arith.addi %mul3A_2, %mul3A_85 : i32
      %dma_start3A_87 = arith.constant 0 : i32
      %dma_start3A_88 = tpu.memref_slice %arg6[%mul3A_38, %dma_start3A_87] : memref<512x128xf32, #tpu.memory_space<vmem>> -> memref<256x128xf32, #tpu.memory_space<vmem>>
      %dma_start3A_89 = arith.constant 0 : i32
      %dma_start3A_90 = tpu.memref_slice %arg4[%add3A_86, %dma_start3A_89] : memref<204800x128xf32, #tpu.memory_space<hbm>> -> memref<256x128xf32, #tpu.memory_space<hbm>>
      %dma_start3A_91 = arith.constant 0 : i32
      %dma_start3A_92 = tpu.memref_slice %arg4[%add3A_86, %dma_start3A_91] : memref<204800x128xf32, #tpu.memory_space<hbm>> -> memref<256x128xf32, #tpu.memory_space<hbm>>
      %dma_start3A_93 = arith.constant 0 : i32
      %dma_start3A_94 = tpu.memref_slice %arg6[%mul3A_38, %dma_start3A_93] : memref<512x128xf32, #tpu.memory_space<vmem>> -> memref<256x128xf32, #tpu.memory_space<vmem>>
      tpu.enqueue_dma source(%dma_start3A_94 : memref<256x128xf32, #tpu.memory_space<vmem>>) target(%dma_start3A_92 : memref<256x128xf32, #tpu.memory_space<hbm>>) target_semaphore(%arg8 : memref<!tpu.dma_semaphore, #tpu.memory_space<semaphore_mem>>)
    }
    %scan3A_7 = arith.constant 25 : i32
    %dma_wait3A = arith.constant 0 : i32
    %dma_wait3A_8 = arith.constant 0 : i32
    %dma_wait3A_9 = tpu.memref_slice %arg6[%dma_wait3A, %dma_wait3A_8] : memref<512x128xf32, #tpu.memory_space<vmem>> -> memref<256x128xf32, #tpu.memory_space<vmem>>
    %dma_wait3A_10 = arith.constant 0 : i32
    %dma_wait3A_11 = tpu.memref_slice %arg4[%mul3A_2, %dma_wait3A_10] : memref<204800x128xf32, #tpu.memory_space<hbm>> -> memref<256x128xf32, #tpu.memory_space<hbm>>
    %dma_wait3A_12 = arith.constant 0 : i32
    %dma_wait3A_13 = tpu.memref_slice %arg4[%mul3A_2, %dma_wait3A_12] : memref<204800x128xf32, #tpu.memory_space<hbm>> -> memref<256x128xf32, #tpu.memory_space<hbm>>
    %dma_wait3A_14 = arith.constant 0 : i32
    %dma_wait3A_15 = arith.constant 0 : i32
    %dma_wait3A_16 = tpu.memref_slice %arg6[%dma_wait3A_14, %dma_wait3A_15] : memref<512x128xf32, #tpu.memory_space<vmem>> -> memref<256x128xf32, #tpu.memory_space<vmem>>
    tpu.wait_dma2 semaphore(%arg8 : memref<!tpu.dma_semaphore, #tpu.memory_space<semaphore_mem>>) src(%dma_wait3A_16 : memref<256x128xf32, #tpu.memory_space<vmem>>) dst(%dma_wait3A_13 : memref<256x128xf32, #tpu.memory_space<hbm>>)
    %dma_wait3A_17 = arith.constant 0 : i32
    %dma_wait3A_18 = arith.constant 0 : i32
    %dma_wait3A_19 = tpu.memref_slice %arg6[%dma_wait3A_17, %dma_wait3A_18] : memref<512x128xf32, #tpu.memory_space<vmem>> -> memref<256x128xf32, #tpu.memory_space<vmem>>
    %dma_wait3A_20 = arith.constant 0 : i32
    %dma_wait3A_21 = tpu.memref_slice %arg4[%mul3A_2, %dma_wait3A_20] : memref<204800x128xf32, #tpu.memory_space<hbm>> -> memref<256x128xf32, #tpu.memory_space<hbm>>
    %dma_wait3A_22 = arith.constant 0 : i32
    %dma_wait3A_23 = tpu.memref_slice %arg4[%mul3A_2, %dma_wait3A_22] : memref<204800x128xf32, #tpu.memory_space<hbm>> -> memref<256x128xf32, #tpu.memory_space<hbm>>
    %dma_wait3A_24 = arith.constant 0 : i32
    %dma_wait3A_25 = arith.constant 0 : i32
    %dma_wait3A_26 = tpu.memref_slice %arg6[%dma_wait3A_24, %dma_wait3A_25] : memref<512x128xf32, #tpu.memory_space<vmem>> -> memref<256x128xf32, #tpu.memory_space<vmem>>
    tpu.wait_dma2 semaphore(%arg8 : memref<!tpu.dma_semaphore, #tpu.memory_space<semaphore_mem>>) src(%dma_wait3A_26 : memref<256x128xf32, #tpu.memory_space<vmem>>) dst(%dma_wait3A_23 : memref<256x128xf32, #tpu.memory_space<hbm>>)
    return
  }
}

module attributes {stable_mosaic.version = 14 : i64} {
  func.func @body(%arg0: i32, %arg1: memref<8x1024xi32, #tpu.memory_space<vmem>>, %arg2: memref<8x1024x128xf32, #tpu.memory_space<vmem>>, %arg3: memref<64x128xf32, #tpu.memory_space<vmem>>, %arg4: memref<64x5xf32, #tpu.memory_space<vmem>>, %arg5: memref<64x1xf32, #tpu.memory_space<vmem>>, %arg6: memref<8x64x1024xf32, #tpu.memory_space<vmem>>) attributes {dimension_semantics = [#tpu.dimension_semantics<arbitrary>], iteration_bounds = array<i64: 25>, scalar_prefetch = 0 : i64, scratch_operands = 0 : i64, tpu.core_type = #tpu.core_type<tc>, window_params = [{transform_indices = @transform_0, window_bounds = array<i64: 8, 1024>}, {transform_indices = @transform_1, window_bounds = array<i64: 8, 1024, 128>}, {pipeline_mode = #tpu.pipeline_mode<synchronous>, transform_indices = @transform_2, window_bounds = array<i64: 64, 128>}, {pipeline_mode = #tpu.pipeline_mode<synchronous>, transform_indices = @transform_3, window_bounds = array<i64: 64, 5>}, {pipeline_mode = #tpu.pipeline_mode<synchronous>, transform_indices = @transform_4, window_bounds = array<i64: 64, 1>}, {transform_indices = @transform_5, window_bounds = array<i64: 8, 64, 1024>}]} {
    %iota3A = tpu.iota {dimensions = array<i32: 0>} : vector<5x1xi32>
    %convert_element_type3A = arith.sitofp %iota3A : vector<5x1xi32> to vector<5x1xf32>
    %get3A = arith.constant 0 : index
    %get3A_0 = arith.constant 0 : index
    %get3A_1 = vector.load %arg5[%get3A, %get3A_0] : memref<64x1xf32, #tpu.memory_space<vmem>>, vector<64x1xf32>
    %get3A_2 = arith.constant 0 : index
    %get3A_3 = arith.constant 0 : index
    %get3A_4 = vector.load %arg3[%get3A_2, %get3A_3] : memref<64x128xf32, #tpu.memory_space<vmem>>, vector<64x128xf32>
    %get3A_5 = arith.constant 0 : index
    %get3A_6 = arith.constant 0 : index
    %get3A_7 = vector.load %arg4[%get3A_5, %get3A_6] : memref<64x5xf32, #tpu.memory_space<vmem>>, vector<64x5xf32>
    %get3A_8 = arith.constant 0 : index
    %get3A_9 = arith.constant 0 : index
    %get3A_10 = arith.constant 0 : index
    %get3A_11 = vector.load %arg2[%get3A_8, %get3A_9, %get3A_10] : memref<8x1024x128xf32, #tpu.memory_space<vmem>>, vector<1x1024x128xf32>
    %get3A_12 = vector.shape_cast %get3A_11 : vector<1x1024x128xf32> to vector<1024x128xf32>
    %dot_general3A = arith.constant dense<0.000000e+00> : vector<64x1024xf32>
    %dot_general3A_13 = tpu.matmul %get3A_4, %get3A_12, %dot_general3A {dimension_numbers = #tpu.dot_dimension_numbers<[1], [1], [0], [0], [0, 0, 1, 0], [], []>, transpose_lhs_hint = false} : vector<64x128xf32>, vector<1024x128xf32>, vector<64x1024xf32> -> vector<64x1024xf32>
    %get3A_14 = arith.constant 0 : index
    %get3A_15 = arith.constant 0 : index
    %get3A_16 = vector.load %arg1[%get3A_14, %get3A_15] : memref<8x1024xi32, #tpu.memory_space<vmem>>, vector<1x1024xi32>
    %get3A_17 = vector.shape_cast %get3A_16 : vector<1x1024xi32> to vector<1024xi32>
    %convert_element_type3A_18 = arith.sitofp %get3A_17 : vector<1024xi32> to vector<1024xf32>
    %reshape3A = vector.shape_cast %convert_element_type3A_18 : vector<1024xf32> to vector<1x1024xf32>
    %sub3A = vector.broadcast %convert_element_type3A : vector<5x1xf32> to vector<5x1024xf32>
    %sub3A_19 = vector.broadcast %reshape3A : vector<1x1024xf32> to vector<5x1024xf32>
    %sub3A_20 = arith.subf %sub3A, %sub3A_19 : vector<5x1024xf32>
    %abs3A = math.absf %sub3A_20 : vector<5x1024xf32>
    %mul3A = arith.constant 2.500000e-01 : f32
    %mul3A_21 = vector.broadcast %mul3A : f32 to vector<5x1024xf32>
    %mul3A_22 = arith.mulf %abs3A, %mul3A_21 : vector<5x1024xf32>
    %sub3A_23 = arith.constant 1.000000e+00 : f32
    %sub3A_24 = vector.broadcast %sub3A_23 : f32 to vector<5x1024xf32>
    %sub3A_25 = arith.subf %sub3A_24, %mul3A_22 : vector<5x1024xf32>
    %max3A = arith.constant 0.000000e+00 : f32
    %max3A_26 = vector.broadcast %max3A : f32 to vector<5x1024xf32>
    %max3A_27 = arith.maximumf %sub3A_25, %max3A_26 : vector<5x1024xf32>
    %dot_general3A_28 = arith.constant dense<0.000000e+00> : vector<64x1024xf32>
    %dot_general3A_29 = tpu.matmul %get3A_7, %max3A_27, %dot_general3A_28 {dimension_numbers = #tpu.dot_dimension_numbers<[1], [0], [0], [1], [0, 0, 1, 1], [], []>, transpose_lhs_hint = false} : vector<64x5xf32>, vector<5x1024xf32>, vector<64x1024xf32> -> vector<64x1024xf32>
    %add3A = arith.addf %dot_general3A_13, %dot_general3A_29 : vector<64x1024xf32>
    %add3A_30 = vector.broadcast %get3A_1 : vector<64x1xf32> to vector<64x1024xf32>
    %add3A_31 = arith.addf %add3A, %add3A_30 : vector<64x1024xf32>
    %swap3A = arith.constant 0 : index
    %swap3A_32 = arith.constant 0 : index
    %swap3A_33 = arith.constant 0 : index
    %swap3A_34 = vector.load %arg6[%swap3A, %swap3A_32, %swap3A_33] : memref<8x64x1024xf32, #tpu.memory_space<vmem>>, vector<1x64x1024xf32>
    %swap3A_35 = vector.shape_cast %swap3A_34 : vector<1x64x1024xf32> to vector<64x1024xf32>
    %swap3A_36 = vector.shape_cast %add3A_31 : vector<64x1024xf32> to vector<1x64x1024xf32>
    tpu.vector_store %arg6[%swap3A, %swap3A_32, %swap3A_33], %swap3A_36 {strides = array<i32>} : memref<8x64x1024xf32, #tpu.memory_space<vmem>>, vector<1x64x1024xf32>,
    %get3A_37 = arith.constant 1 : index
    %get3A_38 = arith.constant 0 : index
    %get3A_39 = arith.constant 0 : index
    %get3A_40 = vector.load %arg2[%get3A_37, %get3A_38, %get3A_39] : memref<8x1024x128xf32, #tpu.memory_space<vmem>>, vector<1x1024x128xf32>
    %get3A_41 = vector.shape_cast %get3A_40 : vector<1x1024x128xf32> to vector<1024x128xf32>
    %dot_general3A_42 = arith.constant dense<0.000000e+00> : vector<64x1024xf32>
    %dot_general3A_43 = tpu.matmul %get3A_4, %get3A_41, %dot_general3A_42 {dimension_numbers = #tpu.dot_dimension_numbers<[1], [1], [0], [0], [0, 0, 1, 0], [], []>, transpose_lhs_hint = false} : vector<64x128xf32>, vector<1024x128xf32>, vector<64x1024xf32> -> vector<64x1024xf32>
    %get3A_44 = arith.constant 1 : index
    %get3A_45 = arith.constant 0 : index
    %get3A_46 = vector.load %arg1[%get3A_44, %get3A_45] : memref<8x1024xi32, #tpu.memory_space<vmem>>, vector<1x1024xi32>
    %get3A_47 = vector.shape_cast %get3A_46 : vector<1x1024xi32> to vector<1024xi32>
    %convert_element_type3A_48 = arith.sitofp %get3A_47 : vector<1024xi32> to vector<1024xf32>
    %reshape3A_49 = vector.shape_cast %convert_element_type3A_48 : vector<1024xf32> to vector<1x1024xf32>
    %sub3A_50 = vector.broadcast %convert_element_type3A : vector<5x1xf32> to vector<5x1024xf32>
    %sub3A_51 = vector.broadcast %reshape3A_49 : vector<1x1024xf32> to vector<5x1024xf32>
    %sub3A_52 = arith.subf %sub3A_50, %sub3A_51 : vector<5x1024xf32>
    %abs3A_53 = math.absf %sub3A_52 : vector<5x1024xf32>
    %mul3A_54 = arith.constant 2.500000e-01 : f32
    %mul3A_55 = vector.broadcast %mul3A_54 : f32 to vector<5x1024xf32>
    %mul3A_56 = arith.mulf %abs3A_53, %mul3A_55 : vector<5x1024xf32>
    %sub3A_57 = arith.constant 1.000000e+00 : f32
    %sub3A_58 = vector.broadcast %sub3A_57 : f32 to vector<5x1024xf32>
    %sub3A_59 = arith.subf %sub3A_58, %mul3A_56 : vector<5x1024xf32>
    %max3A_60 = arith.constant 0.000000e+00 : f32
    %max3A_61 = vector.broadcast %max3A_60 : f32 to vector<5x1024xf32>
    %max3A_62 = arith.maximumf %sub3A_59, %max3A_61 : vector<5x1024xf32>
    %dot_general3A_63 = arith.constant dense<0.000000e+00> : vector<64x1024xf32>
    %dot_general3A_64 = tpu.matmul %get3A_7, %max3A_62, %dot_general3A_63 {dimension_numbers = #tpu.dot_dimension_numbers<[1], [0], [0], [1], [0, 0, 1, 1], [], []>, transpose_lhs_hint = false} : vector<64x5xf32>, vector<5x1024xf32>, vector<64x1024xf32> -> vector<64x1024xf32>
    %add3A_65 = arith.addf %dot_general3A_43, %dot_general3A_64 : vector<64x1024xf32>
    %add3A_66 = vector.broadcast %get3A_1 : vector<64x1xf32> to vector<64x1024xf32>
    %add3A_67 = arith.addf %add3A_65, %add3A_66 : vector<64x1024xf32>
    %swap3A_68 = arith.constant 1 : index
    %swap3A_69 = arith.constant 0 : index
    %swap3A_70 = arith.constant 0 : index
    %swap3A_71 = vector.load %arg6[%swap3A_68, %swap3A_69, %swap3A_70] : memref<8x64x1024xf32, #tpu.memory_space<vmem>>, vector<1x64x1024xf32>
    %swap3A_72 = vector.shape_cast %swap3A_71 : vector<1x64x1024xf32> to vector<64x1024xf32>
    %swap3A_73 = vector.shape_cast %add3A_67 : vector<64x1024xf32> to vector<1x64x1024xf32>
    tpu.vector_store %arg6[%swap3A_68, %swap3A_69, %swap3A_70], %swap3A_73 {strides = array<i32>} : memref<8x64x1024xf32, #tpu.memory_space<vmem>>, vector<1x64x1024xf32>,
    %get3A_74 = arith.constant 2 : index
    %get3A_75 = arith.constant 0 : index
    %get3A_76 = arith.constant 0 : index
    %get3A_77 = vector.load %arg2[%get3A_74, %get3A_75, %get3A_76] : memref<8x1024x128xf32, #tpu.memory_space<vmem>>, vector<1x1024x128xf32>
    %get3A_78 = vector.shape_cast %get3A_77 : vector<1x1024x128xf32> to vector<1024x128xf32>
    %dot_general3A_79 = arith.constant dense<0.000000e+00> : vector<64x1024xf32>
    %dot_general3A_80 = tpu.matmul %get3A_4, %get3A_78, %dot_general3A_79 {dimension_numbers = #tpu.dot_dimension_numbers<[1], [1], [0], [0], [0, 0, 1, 0], [], []>, transpose_lhs_hint = false} : vector<64x128xf32>, vector<1024x128xf32>, vector<64x1024xf32> -> vector<64x1024xf32>
    %get3A_81 = arith.constant 2 : index
    %get3A_82 = arith.constant 0 : index
    %get3A_83 = vector.load %arg1[%get3A_81, %get3A_82] : memref<8x1024xi32, #tpu.memory_space<vmem>>, vector<1x1024xi32>
    %get3A_84 = vector.shape_cast %get3A_83 : vector<1x1024xi32> to vector<1024xi32>
    %convert_element_type3A_85 = arith.sitofp %get3A_84 : vector<1024xi32> to vector<1024xf32>
    %reshape3A_86 = vector.shape_cast %convert_element_type3A_85 : vector<1024xf32> to vector<1x1024xf32>
    %sub3A_87 = vector.broadcast %convert_element_type3A : vector<5x1xf32> to vector<5x1024xf32>
    %sub3A_88 = vector.broadcast %reshape3A_86 : vector<1x1024xf32> to vector<5x1024xf32>
    %sub3A_89 = arith.subf %sub3A_87, %sub3A_88 : vector<5x1024xf32>
    %abs3A_90 = math.absf %sub3A_89 : vector<5x1024xf32>
    %mul3A_91 = arith.constant 2.500000e-01 : f32
    %mul3A_92 = vector.broadcast %mul3A_91 : f32 to vector<5x1024xf32>
    %mul3A_93 = arith.mulf %abs3A_90, %mul3A_92 : vector<5x1024xf32>
    %sub3A_94 = arith.constant 1.000000e+00 : f32
    %sub3A_95 = vector.broadcast %sub3A_94 : f32 to vector<5x1024xf32>
    %sub3A_96 = arith.subf %sub3A_95, %mul3A_93 : vector<5x1024xf32>
    %max3A_97 = arith.constant 0.000000e+00 : f32
    %max3A_98 = vector.broadcast %max3A_97 : f32 to vector<5x1024xf32>
    %max3A_99 = arith.maximumf %sub3A_96, %max3A_98 : vector<5x1024xf32>
    %dot_general3A_100 = arith.constant dense<0.000000e+00> : vector<64x1024xf32>
    %dot_general3A_101 = tpu.matmul %get3A_7, %max3A_99, %dot_general3A_100 {dimension_numbers = #tpu.dot_dimension_numbers<[1], [0], [0], [1], [0, 0, 1, 1], [], []>, transpose_lhs_hint = false} : vector<64x5xf32>, vector<5x1024xf32>, vector<64x1024xf32> -> vector<64x1024xf32>
    %add3A_102 = arith.addf %dot_general3A_80, %dot_general3A_101 : vector<64x1024xf32>
    %add3A_103 = vector.broadcast %get3A_1 : vector<64x1xf32> to vector<64x1024xf32>
    %add3A_104 = arith.addf %add3A_102, %add3A_103 : vector<64x1024xf32>
    %swap3A_105 = arith.constant 2 : index
    %swap3A_106 = arith.constant 0 : index
    %swap3A_107 = arith.constant 0 : index
    %swap3A_108 = vector.load %arg6[%swap3A_105, %swap3A_106, %swap3A_107] : memref<8x64x1024xf32, #tpu.memory_space<vmem>>, vector<1x64x1024xf32>
    %swap3A_109 = vector.shape_cast %swap3A_108 : vector<1x64x1024xf32> to vector<64x1024xf32>
    %swap3A_110 = vector.shape_cast %add3A_104 : vector<64x1024xf32> to vector<1x64x1024xf32>
    tpu.vector_store %arg6[%swap3A_105, %swap3A_106, %swap3A_107], %swap3A_110 {strides = array<i32>} : memref<8x64x1024xf32, #tpu.memory_space<vmem>>, vector<1x64x1024xf32>,
    %get3A_111 = arith.constant 3 : index
    %get3A_112 = arith.constant 0 : index
    %get3A_113 = arith.constant 0 : index
    %get3A_114 = vector.load %arg2[%get3A_111, %get3A_112, %get3A_113] : memref<8x1024x128xf32, #tpu.memory_space<vmem>>, vector<1x1024x128xf32>
    %get3A_115 = vector.shape_cast %get3A_114 : vector<1x1024x128xf32> to vector<1024x128xf32>
    %dot_general3A_116 = arith.constant dense<0.000000e+00> : vector<64x1024xf32>
    %dot_general3A_117 = tpu.matmul %get3A_4, %get3A_115, %dot_general3A_116 {dimension_numbers = #tpu.dot_dimension_numbers<[1], [1], [0], [0], [0, 0, 1, 0], [], []>, transpose_lhs_hint = false} : vector<64x128xf32>, vector<1024x128xf32>, vector<64x1024xf32> -> vector<64x1024xf32>
    %get3A_118 = arith.constant 3 : index
    %get3A_119 = arith.constant 0 : index
    %get3A_120 = vector.load %arg1[%get3A_118, %get3A_119] : memref<8x1024xi32, #tpu.memory_space<vmem>>, vector<1x1024xi32>
    %get3A_121 = vector.shape_cast %get3A_120 : vector<1x1024xi32> to vector<1024xi32>
    %convert_element_type3A_122 = arith.sitofp %get3A_121 : vector<1024xi32> to vector<1024xf32>
    %reshape3A_123 = vector.shape_cast %convert_element_type3A_122 : vector<1024xf32> to vector<1x1024xf32>
    %sub3A_124 = vector.broadcast %convert_element_type3A : vector<5x1xf32> to vector<5x1024xf32>
    %sub3A_125 = vector.broadcast %reshape3A_123 : vector<1x1024xf32> to vector<5x1024xf32>
    %sub3A_126 = arith.subf %sub3A_124, %sub3A_125 : vector<5x1024xf32>
    %abs3A_127 = math.absf %sub3A_126 : vector<5x1024xf32>
    %mul3A_128 = arith.constant 2.500000e-01 : f32
    %mul3A_129 = vector.broadcast %mul3A_128 : f32 to vector<5x1024xf32>
    %mul3A_130 = arith.mulf %abs3A_127, %mul3A_129 : vector<5x1024xf32>
    %sub3A_131 = arith.constant 1.000000e+00 : f32
    %sub3A_132 = vector.broadcast %sub3A_131 : f32 to vector<5x1024xf32>
    %sub3A_133 = arith.subf %sub3A_132, %mul3A_130 : vector<5x1024xf32>
    %max3A_134 = arith.constant 0.000000e+00 : f32
    %max3A_135 = vector.broadcast %max3A_134 : f32 to vector<5x1024xf32>
    %max3A_136 = arith.maximumf %sub3A_133, %max3A_135 : vector<5x1024xf32>
    %dot_general3A_137 = arith.constant dense<0.000000e+00> : vector<64x1024xf32>
    %dot_general3A_138 = tpu.matmul %get3A_7, %max3A_136, %dot_general3A_137 {dimension_numbers = #tpu.dot_dimension_numbers<[1], [0], [0], [1], [0, 0, 1, 1], [], []>, transpose_lhs_hint = false} : vector<64x5xf32>, vector<5x1024xf32>, vector<64x1024xf32> -> vector<64x1024xf32>
    %add3A_139 = arith.addf %dot_general3A_117, %dot_general3A_138 : vector<64x1024xf32>
    %add3A_140 = vector.broadcast %get3A_1 : vector<64x1xf32> to vector<64x1024xf32>
    %add3A_141 = arith.addf %add3A_139, %add3A_140 : vector<64x1024xf32>
    %swap3A_142 = arith.constant 3 : index
    %swap3A_143 = arith.constant 0 : index
    %swap3A_144 = arith.constant 0 : index
    %swap3A_145 = vector.load %arg6[%swap3A_142, %swap3A_143, %swap3A_144] : memref<8x64x1024xf32, #tpu.memory_space<vmem>>, vector<1x64x1024xf32>
    %swap3A_146 = vector.shape_cast %swap3A_145 : vector<1x64x1024xf32> to vector<64x1024xf32>
    %swap3A_147 = vector.shape_cast %add3A_141 : vector<64x1024xf32> to vector<1x64x1024xf32>
    tpu.vector_store %arg6[%swap3A_142, %swap3A_143, %swap3A_144], %swap3A_147 {strides = array<i32>} : memref<8x64x1024xf32, #tpu.memory_space<vmem>>, vector<1x64x1024xf32>,
    %get3A_148 = arith.constant 4 : index
    %get3A_149 = arith.constant 0 : index
    %get3A_150 = arith.constant 0 : index
    %get3A_151 = vector.load %arg2[%get3A_148, %get3A_149, %get3A_150] : memref<8x1024x128xf32, #tpu.memory_space<vmem>>, vector<1x1024x128xf32>
    %get3A_152 = vector.shape_cast %get3A_151 : vector<1x1024x128xf32> to vector<1024x128xf32>
    %dot_general3A_153 = arith.constant dense<0.000000e+00> : vector<64x1024xf32>
    %dot_general3A_154 = tpu.matmul %get3A_4, %get3A_152, %dot_general3A_153 {dimension_numbers = #tpu.dot_dimension_numbers<[1], [1], [0], [0], [0, 0, 1, 0], [], []>, transpose_lhs_hint = false} : vector<64x128xf32>, vector<1024x128xf32>, vector<64x1024xf32> -> vector<64x1024xf32>
    %get3A_155 = arith.constant 4 : index
    %get3A_156 = arith.constant 0 : index
    %get3A_157 = vector.load %arg1[%get3A_155, %get3A_156] : memref<8x1024xi32, #tpu.memory_space<vmem>>, vector<1x1024xi32>
    %get3A_158 = vector.shape_cast %get3A_157 : vector<1x1024xi32> to vector<1024xi32>
    %convert_element_type3A_159 = arith.sitofp %get3A_158 : vector<1024xi32> to vector<1024xf32>
    %reshape3A_160 = vector.shape_cast %convert_element_type3A_159 : vector<1024xf32> to vector<1x1024xf32>
    %sub3A_161 = vector.broadcast %convert_element_type3A : vector<5x1xf32> to vector<5x1024xf32>
    %sub3A_162 = vector.broadcast %reshape3A_160 : vector<1x1024xf32> to vector<5x1024xf32>
    %sub3A_163 = arith.subf %sub3A_161, %sub3A_162 : vector<5x1024xf32>
    %abs3A_164 = math.absf %sub3A_163 : vector<5x1024xf32>
    %mul3A_165 = arith.constant 2.500000e-01 : f32
    %mul3A_166 = vector.broadcast %mul3A_165 : f32 to vector<5x1024xf32>
    %mul3A_167 = arith.mulf %abs3A_164, %mul3A_166 : vector<5x1024xf32>
    %sub3A_168 = arith.constant 1.000000e+00 : f32
    %sub3A_169 = vector.broadcast %sub3A_168 : f32 to vector<5x1024xf32>
    %sub3A_170 = arith.subf %sub3A_169, %mul3A_167 : vector<5x1024xf32>
    %max3A_171 = arith.constant 0.000000e+00 : f32
    %max3A_172 = vector.broadcast %max3A_171 : f32 to vector<5x1024xf32>
    %max3A_173 = arith.maximumf %sub3A_170, %max3A_172 : vector<5x1024xf32>
    %dot_general3A_174 = arith.constant dense<0.000000e+00> : vector<64x1024xf32>
    %dot_general3A_175 = tpu.matmul %get3A_7, %max3A_173, %dot_general3A_174 {dimension_numbers = #tpu.dot_dimension_numbers<[1], [0], [0], [1], [0, 0, 1, 1], [], []>, transpose_lhs_hint = false} : vector<64x5xf32>, vector<5x1024xf32>, vector<64x1024xf32> -> vector<64x1024xf32>
    %add3A_176 = arith.addf %dot_general3A_154, %dot_general3A_175 : vector<64x1024xf32>
    %add3A_177 = vector.broadcast %get3A_1 : vector<64x1xf32> to vector<64x1024xf32>
    %add3A_178 = arith.addf %add3A_176, %add3A_177 : vector<64x1024xf32>
    %swap3A_179 = arith.constant 4 : index
    %swap3A_180 = arith.constant 0 : index
    %swap3A_181 = arith.constant 0 : index
    %swap3A_182 = vector.load %arg6[%swap3A_179, %swap3A_180, %swap3A_181] : memref<8x64x1024xf32, #tpu.memory_space<vmem>>, vector<1x64x1024xf32>
    %swap3A_183 = vector.shape_cast %swap3A_182 : vector<1x64x1024xf32> to vector<64x1024xf32>
    %swap3A_184 = vector.shape_cast %add3A_178 : vector<64x1024xf32> to vector<1x64x1024xf32>
    tpu.vector_store %arg6[%swap3A_179, %swap3A_180, %swap3A_181], %swap3A_184 {strides = array<i32>} : memref<8x64x1024xf32, #tpu.memory_space<vmem>>, vector<1x64x1024xf32>,
    %get3A_185 = arith.constant 5 : index
    %get3A_186 = arith.constant 0 : index
    %get3A_187 = arith.constant 0 : index
    %get3A_188 = vector.load %arg2[%get3A_185, %get3A_186, %get3A_187] : memref<8x1024x128xf32, #tpu.memory_space<vmem>>, vector<1x1024x128xf32>
    %get3A_189 = vector.shape_cast %get3A_188 : vector<1x1024x128xf32> to vector<1024x128xf32>
    %dot_general3A_190 = arith.constant dense<0.000000e+00> : vector<64x1024xf32>
    %dot_general3A_191 = tpu.matmul %get3A_4, %get3A_189, %dot_general3A_190 {dimension_numbers = #tpu.dot_dimension_numbers<[1], [1], [0], [0], [0, 0, 1, 0], [], []>, transpose_lhs_hint = false} : vector<64x128xf32>, vector<1024x128xf32>, vector<64x1024xf32> -> vector<64x1024xf32>
    %get3A_192 = arith.constant 5 : index
    %get3A_193 = arith.constant 0 : index
    %get3A_194 = vector.load %arg1[%get3A_192, %get3A_193] : memref<8x1024xi32, #tpu.memory_space<vmem>>, vector<1x1024xi32>
    %get3A_195 = vector.shape_cast %get3A_194 : vector<1x1024xi32> to vector<1024xi32>
    %convert_element_type3A_196 = arith.sitofp %get3A_195 : vector<1024xi32> to vector<1024xf32>
    %reshape3A_197 = vector.shape_cast %convert_element_type3A_196 : vector<1024xf32> to vector<1x1024xf32>
    %sub3A_198 = vector.broadcast %convert_element_type3A : vector<5x1xf32> to vector<5x1024xf32>
    %sub3A_199 = vector.broadcast %reshape3A_197 : vector<1x1024xf32> to vector<5x1024xf32>
    %sub3A_200 = arith.subf %sub3A_198, %sub3A_199 : vector<5x1024xf32>
    %abs3A_201 = math.absf %sub3A_200 : vector<5x1024xf32>
    %mul3A_202 = arith.constant 2.500000e-01 : f32
    %mul3A_203 = vector.broadcast %mul3A_202 : f32 to vector<5x1024xf32>
    %mul3A_204 = arith.mulf %abs3A_201, %mul3A_203 : vector<5x1024xf32>
    %sub3A_205 = arith.constant 1.000000e+00 : f32
    %sub3A_206 = vector.broadcast %sub3A_205 : f32 to vector<5x1024xf32>
    %sub3A_207 = arith.subf %sub3A_206, %mul3A_204 : vector<5x1024xf32>
    %max3A_208 = arith.constant 0.000000e+00 : f32
    %max3A_209 = vector.broadcast %max3A_208 : f32 to vector<5x1024xf32>
    %max3A_210 = arith.maximumf %sub3A_207, %max3A_209 : vector<5x1024xf32>
    %dot_general3A_211 = arith.constant dense<0.000000e+00> : vector<64x1024xf32>
    %dot_general3A_212 = tpu.matmul %get3A_7, %max3A_210, %dot_general3A_211 {dimension_numbers = #tpu.dot_dimension_numbers<[1], [0], [0], [1], [0, 0, 1, 1], [], []>, transpose_lhs_hint = false} : vector<64x5xf32>, vector<5x1024xf32>, vector<64x1024xf32> -> vector<64x1024xf32>
    %add3A_213 = arith.addf %dot_general3A_191, %dot_general3A_212 : vector<64x1024xf32>
    %add3A_214 = vector.broadcast %get3A_1 : vector<64x1xf32> to vector<64x1024xf32>
    %add3A_215 = arith.addf %add3A_213, %add3A_214 : vector<64x1024xf32>
    %swap3A_216 = arith.constant 5 : index
    %swap3A_217 = arith.constant 0 : index
    %swap3A_218 = arith.constant 0 : index
    %swap3A_219 = vector.load %arg6[%swap3A_216, %swap3A_217, %swap3A_218] : memref<8x64x1024xf32, #tpu.memory_space<vmem>>, vector<1x64x1024xf32>
    %swap3A_220 = vector.shape_cast %swap3A_219 : vector<1x64x1024xf32> to vector<64x1024xf32>
    %swap3A_221 = vector.shape_cast %add3A_215 : vector<64x1024xf32> to vector<1x64x1024xf32>
    tpu.vector_store %arg6[%swap3A_216, %swap3A_217, %swap3A_218], %swap3A_221 {strides = array<i32>} : memref<8x64x1024xf32, #tpu.memory_space<vmem>>, vector<1x64x1024xf32>,
    %get3A_222 = arith.constant 6 : index
    %get3A_223 = arith.constant 0 : index
    %get3A_224 = arith.constant 0 : index
    %get3A_225 = vector.load %arg2[%get3A_222, %get3A_223, %get3A_224] : memref<8x1024x128xf32, #tpu.memory_space<vmem>>, vector<1x1024x128xf32>
    %get3A_226 = vector.shape_cast %get3A_225 : vector<1x1024x128xf32> to vector<1024x128xf32>
    %dot_general3A_227 = arith.constant dense<0.000000e+00> : vector<64x1024xf32>
    %dot_general3A_228 = tpu.matmul %get3A_4, %get3A_226, %dot_general3A_227 {dimension_numbers = #tpu.dot_dimension_numbers<[1], [1], [0], [0], [0, 0, 1, 0], [], []>, transpose_lhs_hint = false} : vector<64x128xf32>, vector<1024x128xf32>, vector<64x1024xf32> -> vector<64x1024xf32>
    %get3A_229 = arith.constant 6 : index
    %get3A_230 = arith.constant 0 : index
    %get3A_231 = vector.load %arg1[%get3A_229, %get3A_230] : memref<8x1024xi32, #tpu.memory_space<vmem>>, vector<1x1024xi32>
    %get3A_232 = vector.shape_cast %get3A_231 : vector<1x1024xi32> to vector<1024xi32>
    %convert_element_type3A_233 = arith.sitofp %get3A_232 : vector<1024xi32> to vector<1024xf32>
    %reshape3A_234 = vector.shape_cast %convert_element_type3A_233 : vector<1024xf32> to vector<1x1024xf32>
    %sub3A_235 = vector.broadcast %convert_element_type3A : vector<5x1xf32> to vector<5x1024xf32>
    %sub3A_236 = vector.broadcast %reshape3A_234 : vector<1x1024xf32> to vector<5x1024xf32>
    %sub3A_237 = arith.subf %sub3A_235, %sub3A_236 : vector<5x1024xf32>
    %abs3A_238 = math.absf %sub3A_237 : vector<5x1024xf32>
    %mul3A_239 = arith.constant 2.500000e-01 : f32
    %mul3A_240 = vector.broadcast %mul3A_239 : f32 to vector<5x1024xf32>
    %mul3A_241 = arith.mulf %abs3A_238, %mul3A_240 : vector<5x1024xf32>
    %sub3A_242 = arith.constant 1.000000e+00 : f32
    %sub3A_243 = vector.broadcast %sub3A_242 : f32 to vector<5x1024xf32>
    %sub3A_244 = arith.subf %sub3A_243, %mul3A_241 : vector<5x1024xf32>
    %max3A_245 = arith.constant 0.000000e+00 : f32
    %max3A_246 = vector.broadcast %max3A_245 : f32 to vector<5x1024xf32>
    %max3A_247 = arith.maximumf %sub3A_244, %max3A_246 : vector<5x1024xf32>
    %dot_general3A_248 = arith.constant dense<0.000000e+00> : vector<64x1024xf32>
    %dot_general3A_249 = tpu.matmul %get3A_7, %max3A_247, %dot_general3A_248 {dimension_numbers = #tpu.dot_dimension_numbers<[1], [0], [0], [1], [0, 0, 1, 1], [], []>, transpose_lhs_hint = false} : vector<64x5xf32>, vector<5x1024xf32>, vector<64x1024xf32> -> vector<64x1024xf32>
    %add3A_250 = arith.addf %dot_general3A_228, %dot_general3A_249 : vector<64x1024xf32>
    %add3A_251 = vector.broadcast %get3A_1 : vector<64x1xf32> to vector<64x1024xf32>
    %add3A_252 = arith.addf %add3A_250, %add3A_251 : vector<64x1024xf32>
    %swap3A_253 = arith.constant 6 : index
    %swap3A_254 = arith.constant 0 : index
    %swap3A_255 = arith.constant 0 : index
    %swap3A_256 = vector.load %arg6[%swap3A_253, %swap3A_254, %swap3A_255] : memref<8x64x1024xf32, #tpu.memory_space<vmem>>, vector<1x64x1024xf32>
    %swap3A_257 = vector.shape_cast %swap3A_256 : vector<1x64x1024xf32> to vector<64x1024xf32>
    %swap3A_258 = vector.shape_cast %add3A_252 : vector<64x1024xf32> to vector<1x64x1024xf32>
    tpu.vector_store %arg6[%swap3A_253, %swap3A_254, %swap3A_255], %swap3A_258 {strides = array<i32>} : memref<8x64x1024xf32, #tpu.memory_space<vmem>>, vector<1x64x1024xf32>,
    %get3A_259 = arith.constant 7 : index
    %get3A_260 = arith.constant 0 : index
    %get3A_261 = arith.constant 0 : index
    %get3A_262 = vector.load %arg2[%get3A_259, %get3A_260, %get3A_261] : memref<8x1024x128xf32, #tpu.memory_space<vmem>>, vector<1x1024x128xf32>
    %get3A_263 = vector.shape_cast %get3A_262 : vector<1x1024x128xf32> to vector<1024x128xf32>
    %dot_general3A_264 = arith.constant dense<0.000000e+00> : vector<64x1024xf32>
    %dot_general3A_265 = tpu.matmul %get3A_4, %get3A_263, %dot_general3A_264 {dimension_numbers = #tpu.dot_dimension_numbers<[1], [1], [0], [0], [0, 0, 1, 0], [], []>, transpose_lhs_hint = false} : vector<64x128xf32>, vector<1024x128xf32>, vector<64x1024xf32> -> vector<64x1024xf32>
    %get3A_266 = arith.constant 7 : index
    %get3A_267 = arith.constant 0 : index
    %get3A_268 = vector.load %arg1[%get3A_266, %get3A_267] : memref<8x1024xi32, #tpu.memory_space<vmem>>, vector<1x1024xi32>
    %get3A_269 = vector.shape_cast %get3A_268 : vector<1x1024xi32> to vector<1024xi32>
    %convert_element_type3A_270 = arith.sitofp %get3A_269 : vector<1024xi32> to vector<1024xf32>
    %reshape3A_271 = vector.shape_cast %convert_element_type3A_270 : vector<1024xf32> to vector<1x1024xf32>
    %sub3A_272 = vector.broadcast %convert_element_type3A : vector<5x1xf32> to vector<5x1024xf32>
    %sub3A_273 = vector.broadcast %reshape3A_271 : vector<1x1024xf32> to vector<5x1024xf32>
    %sub3A_274 = arith.subf %sub3A_272, %sub3A_273 : vector<5x1024xf32>
    %abs3A_275 = math.absf %sub3A_274 : vector<5x1024xf32>
    %mul3A_276 = arith.constant 2.500000e-01 : f32
    %mul3A_277 = vector.broadcast %mul3A_276 : f32 to vector<5x1024xf32>
    %mul3A_278 = arith.mulf %abs3A_275, %mul3A_277 : vector<5x1024xf32>
    %sub3A_279 = arith.constant 1.000000e+00 : f32
    %sub3A_280 = vector.broadcast %sub3A_279 : f32 to vector<5x1024xf32>
    %sub3A_281 = arith.subf %sub3A_280, %mul3A_278 : vector<5x1024xf32>
    %max3A_282 = arith.constant 0.000000e+00 : f32
    %max3A_283 = vector.broadcast %max3A_282 : f32 to vector<5x1024xf32>
    %max3A_284 = arith.maximumf %sub3A_281, %max3A_283 : vector<5x1024xf32>
    %dot_general3A_285 = arith.constant dense<0.000000e+00> : vector<64x1024xf32>
    %dot_general3A_286 = tpu.matmul %get3A_7, %max3A_284, %dot_general3A_285 {dimension_numbers = #tpu.dot_dimension_numbers<[1], [0], [0], [1], [0, 0, 1, 1], [], []>, transpose_lhs_hint = false} : vector<64x5xf32>, vector<5x1024xf32>, vector<64x1024xf32> -> vector<64x1024xf32>
    %add3A_287 = arith.addf %dot_general3A_265, %dot_general3A_286 : vector<64x1024xf32>
    %add3A_288 = vector.broadcast %get3A_1 : vector<64x1xf32> to vector<64x1024xf32>
    %add3A_289 = arith.addf %add3A_287, %add3A_288 : vector<64x1024xf32>
    %swap3A_290 = arith.constant 7 : index
    %swap3A_291 = arith.constant 0 : index
    %swap3A_292 = arith.constant 0 : index
    %swap3A_293 = vector.load %arg6[%swap3A_290, %swap3A_291, %swap3A_292] : memref<8x64x1024xf32, #tpu.memory_space<vmem>>, vector<1x64x1024xf32>
    %swap3A_294 = vector.shape_cast %swap3A_293 : vector<1x64x1024xf32> to vector<64x1024xf32>
    %swap3A_295 = vector.shape_cast %add3A_289 : vector<64x1024xf32> to vector<1x64x1024xf32>
    tpu.vector_store %arg6[%swap3A_290, %swap3A_291, %swap3A_292], %swap3A_295 {strides = array<i32>} : memref<8x64x1024xf32, #tpu.memory_space<vmem>>, vector<1x64x1024xf32>,
    return
  }
  func.func @transform_0(%arg0: i32) -> (i32, i32) {
    %add3A = arith.constant 0 : i32
    %add3A_0 = arith.addi %arg0, %add3A : i32
    %c0_i32 = arith.constant 0 : i32
    %c0_i32_1 = arith.constant 0 : i32
    return %add3A_0, %c0_i32 : i32, i32
  }
  func.func @transform_1(%arg0: i32) -> (i32, i32, i32) {
    %c0_i32 = arith.constant 0 : i32
    %c0_i32_0 = arith.constant 0 : i32
    %c0_i32_1 = arith.constant 0 : i32
    return %arg0, %c0_i32, %c0_i32_0 : i32, i32, i32
  }
  func.func @transform_2(%arg0: i32) -> (i32, i32) {
    %c0_i32 = arith.constant 0 : i32
    %c0_i32_0 = arith.constant 0 : i32
    %c0_i32_1 = arith.constant 0 : i32
    return %c0_i32, %c0_i32_0 : i32, i32
  }
  func.func @transform_3(%arg0: i32) -> (i32, i32) {
    %c0_i32 = arith.constant 0 : i32
    %c0_i32_0 = arith.constant 0 : i32
    %c0_i32_1 = arith.constant 0 : i32
    return %c0_i32, %c0_i32_0 : i32, i32
  }
  func.func @transform_4(%arg0: i32) -> (i32, i32) {
    %c0_i32 = arith.constant 0 : i32
    %c0_i32_0 = arith.constant 0 : i32
    %c0_i32_1 = arith.constant 0 : i32
    return %c0_i32, %c0_i32_0 : i32, i32
  }
  func.func @transform_5(%arg0: i32) -> (i32, i32, i32) {
    %add3A = arith.constant 0 : i32
    %add3A_0 = arith.addi %arg0, %add3A : i32
    %c0_i32 = arith.constant 0 : i32
    %c0_i32_1 = arith.constant 0 : i32
    %c0_i32_2 = arith.constant 0 : i32
    return %add3A_0, %c0_i32, %c0_i32_1 : i32, i32, i32
  }
}

</mosaic_0001>

<sc_bundles>
// kernel: kernel.4.cloned.1.call-start
scs
__scs_entry_jumppad:
0x0: {  	(pc) =	sbr.rel $0x88, $3  }
0x1: {  	(tag) =	ssettag $0x0;
	lr =	simm.s32 $0x1  }
0x2: {  	[smem:$0x3F9B] =	sst lr;
	_ =	strace $0xD0000000  }
0x3: {  	_ = 	snop  }
0x4: {  	_ = 	snop  }
0x5: {  	_ = 	snop  }
0x6: {  	_ = 	snop  }
0x7: {  	_ = 	snop  }
__scs_overlays_trampoline_lowered:
0x8: {  	[smem:$0x3FAA] =	sst s0  }
0x9: {  	[smem:$0x3FAB] =	sst s1  }
0xa: {  	[smem:$0x3FAC] =	sst s2  }
0xb: {  	[smem:$0x3FAD] =	sst s3  }
0xc: {  	[smem:$0x3FAE] =	sst s4  }
0xd: {  	[smem:$0x3FAF] =	sst s5  }
0xe: {  	[smem:$0x3FB0] =	sst s6  }
0xf: {  	[smem:$0x3FB1] =	sst s7  }
0x10: {  	[smem:$0x3FB2] =	sst s8  }
0x11: {  	[smem:$0x3FB3] =	sst s9;
	s0 =	simm.s32 @!p0 $0x0  }
0x12: {  	s1 =	sld [smem:$0x3F99];
	s0 =	simm.s32 @p0 $0x1  }
0x13: {  	[smem:$0x3FB4] =	sst s0;
	s0 =	simm.s32 @!p1 $0x0  }
0x14: {  	s2 =	sld [smem:$0x3F98];
	s0 =	simm.s32 @p1 $0x1  }
0x15: {  	[smem:$0x3FB5] =	sst s0;
	s0 =	simm.s32 @!p2 $0x0  }
0x16: {  	s3 =	sld [smem:$0x3FDB];
	s0 =	simm.s32 @p2 $0x1  }
0x17: {  	s4 =	simm.s32 $0x1BF5;
	[smem:$0x3FB7] =	sst s0  }
0x18: {  	s0 =	sld [smem:$0x3F9A];
	_ =	swait.ge [sflag:s4], $0x0  }
0x19: {  	s7 =	sld [smem:$0x3F9B]  }
0x1a: {  	s8 =	sadd.s32 $0xFFFFE003, lr  }
0x1b: {  	s9 =	sadd.s32 $0xFFFFFEF7, lr;
	s5 =	simm.s32 $0xFFFFFFFF;
	p2 =	slt.u32 s8, $0xFFFFF086  }
0x1c: {  	p1 =	slt.u32 s9, $0xF7A;
	s5 =	simm.s32 @!p2 $0x0  }
0x1d: {  	s5 =	simm.s32 @p1 $0x1;
	p0 =	seq.s32 s7, s2  }
0x1e: {  	s7 =	smul.u32 @!p0 $0xF7A, s2;
	p2 =	seq.s32 @!p0 s5, $0x0  }
0x1f: {  	s9 =	smul.u32 $0xF7A, s1;
	s8 =	simm.s32 @!p0 $0x1BF5;
	p2 =	por !p2, p0  }
0x20: {  	[sflag:s8] =	ssyncset.s32 @!p0 $0xFFFFF086;
	s6 =	sadd.s32 @!p0 s3, s7;
	s7 =	simm.s32 @!p0 $0x108  }
0x21: {  	s3 =	sadd.s32 s3, s9;
	s6 =	sadd.s32 @!p0 $0x88, s6;
	s7 =	simm.s32 @p2 $0x1082  }
0x22: {  	[simem:s7], [sflag:s8] =	dma.local @!p0 [hbm:s6], $0xF7A  }
0x23: {  	s9 =	sor.u32 $0xD0000000, s2;
	s6 =	simm.s32 $0x108;
	_ =	swait.ge @!p0 [sflag:s8], $0x0  }
0x24: {  	s3 =	sadd.s32 $0x88, s3;
	s6 =	simm.s32 @!p1 $0x1082;
	[sflag:s4] =	ssyncset.s32 $0xFFFFF086  }
0x25: {  	[simem:s6], [sflag:s4] =	dma.local [hbm:s3], $0xF7A  }
0x26: {  	[smem:$0x3F9B] =	sst s1;
	(tag) =	ssettag s2;
	_ =	strace s9  }
0x27: {  	s1 =	sld [smem:$0x3FAB]  }
0x28: {  	s2 =	sld [smem:$0x3FAC]  }
0x29: {  	s4 =	sld [smem:$0x3FAE]  }
0x2a: {  	p0 =	seq.s32 s5, $0x0;
	s5 =	sld [smem:$0x3FAF]  }
0x2b: {  	s6 =	sld [smem:$0x3FB0]  }
0x2c: {  	s7 =	sld [smem:$0x3FB1]  }
0x2d: {  	s3 =	simm.s32 $0x108;
	s8 =	sld [smem:$0x3FB2]  }
0x2e: {  	s3 =	simm.s32 @!p0 $0x1082;
	s9 =	sld [smem:$0x3FB3]  }
0x2f: {  	lr =	sadd.s32 s0, s3;
	s0 =	sld [smem:$0x3FAA]  }
0x30: {  	s3 =	sld [smem:$0x3FAD]  }
0x31: {  	[smem:$0x3FB6] =	sst s10  }
0x32: {  	s10 =	sld [smem:$0x3FB4];
	_ =	sdelay $0x3  }
0x33: {  	p0 =	seq.s32 s10, $0x1;
	s10 =	sld [smem:$0x3FB6];
	_ =	sdelay $0x3  }
0x34: {  	[smem:$0x3FB6] =	sst s10  }
0x35: {  	s10 =	sld [smem:$0x3FB5];
	_ =	sdelay $0x3  }
0x36: {  	p1 =	seq.s32 s10, $0x1;
	s10 =	sld [smem:$0x3FB6];
	_ =	sdelay $0x3  }
0x37: {  	[smem:$0x3FB6] =	sst s10  }
0x38: {  	s10 =	sld [smem:$0x3FB7]  }
0x39: {  	_ = 	snop;
	(pc) =	sbr.ind lr, $3  }
0x3a: {  	_ = 	snop  }
0x3b: {  	_ = 	snop  }
0x3c: {  	p2 =	seq.s32 s10, $0x1;
	s10 =	sld [smem:$0x3FB6]  }
0x3d: {  	_ =	shalt  }
0x3e: {  	_ =	shalt  }
0x3f: {  	_ =	shalt  }
0x40: {  	_ =	shalt  }
0x41: {  	_ =	shalt  }
0x42: {  	_ =	shalt  }
0x43: {  	_ =	shalt  }
0x44: {  	_ =	shalt  }
0x45: {  	_ =	shalt  }
0x46: {  	_ =	shalt  }
0x47: {  	_ =	shalt  }
0x48: {  	_ =	shalt  }
0x49: {  	_ =	shalt  }
0x4a: {  	_ =	shalt  }
0x4b: {  	_ =	shalt  }
0x4c: {  	_ =	shalt  }
0x4d: {  	_ =	shalt  }
0x4e: {  	_ =	shalt  }
0x4f: {  	_ =	shalt  }
0x50: {  	_ =	shalt  }
0x51: {  	_ =	shalt  }
0x52: {  	_ =	shalt  }
0x53: {  	_ =	shalt  }
0x54: {  	_ =	shalt  }
0x55: {  	_ =	shalt  }
0x56: {  	_ =	shalt  }
0x57: {  	_ =	shalt  }
0x58: {  	_ =	shalt  }
0x59: {  	_ =	shalt  }
0x5a: {  	_ =	shalt  }
0x5b: {  	_ =	shalt  }
0x5c: {  	_ =	shalt  }
0x5d: {  	_ =	shalt  }
0x5e: {  	_ =	shalt  }
0x5f: {  	_ =	shalt  }
0x60: {  	_ =	shalt  }
0x61: {  	_ =	shalt  }
0x62: {  	_ =	shalt  }
0x63: {  	_ =	shalt  }
0x64: {  	_ =	shalt  }
0x65: {  	_ =	shalt  }
0x66: {  	_ =	shalt  }
0x67: {  	_ =	shalt  }
0x68: {  	_ =	shalt  }
0x69: {  	_ =	shalt  }
0x6a: {  	_ =	shalt  }
0x6b: {  	_ =	shalt  }
0x6c: {  	_ =	shalt  }
0x6d: {  	_ =	shalt  }
0x6e: {  	_ =	shalt  }
0x6f: {  	_ =	shalt  }
0x70: {  	_ =	shalt  }
0x71: {  	_ =	shalt  }
0x72: {  	_ =	shalt  }
0x73: {  	_ =	shalt  }
0x74: {  	_ =	shalt  }
0x75: {  	_ =	shalt  }
0x76: {  	_ =	shalt  }
0x77: {  	_ =	shalt  }
0x78: {  	_ =	shalt  }
0x79: {  	_ =	shalt  }
0x7a: {  	_ =	shalt  }
0x7b: {  	_ =	shalt  }
0x7c: {  	_ =	shalt  }
0x7d: {  	_ =	shalt  }
0x7e: {  	_ =	shalt  }
0x7f: {  	_ =	shalt  }
0x80: {  	_ =	shalt  }
0x81: {  	_ =	shalt  }
0x82: {  	_ =	shalt  }
0x83: {  	_ =	shalt  }
0x84: {  	_ =	shalt  }
0x85: {  	_ =	shalt  }
0x86: {  	_ =	shalt  }
0x87: {  	_ =	shalt  }
.Lfunc_end0:
.L_simem_size_0:
called_computation_lowered:
.L_overlay_start_0:
0x88: {  	s2 =	sld [smem:$0x3FD9]  }
0x89: {  	s3 =	sld [smem:$0x3FFE];
	_ =	sdelay $0x1  }
0x8a: {  	s1 =	srdreg.scid  }
0x8b: {  	s0 =	sand.u32 $0x1, s1  }
0x8c: {  	s17 =	sshll.u32 s0, $0xA;
	s2 =	sadd.s32 s3, s2  }
0x8d: {  	s2 =	sadd.s32 s2, s17  }
0x8e: {  	[smem:$0x3FC2] =	sst s2  }
0x8f: {  	_ = 	snop  }
0x90: {  	s2 =	sld [smem:$0x3FC7]  }
0x91: {  	s18 =	sld [smem:$0x3FD0];
	(tm) =	ssettm $0x1  }
0x92: {  	s4 =	sld [smem:$0x3FFB];
	_ =	sdelay $0x3  }
0x93: {  	_ =	strace s4  }
0x94: {  	s4 =	sld [smem:$0x3FFC];
	_ =	sdelay $0x3  }
0x95: {  	_ =	strace s4  }
0x96: {  	s4 =	sld [smem:$0x3FFD];
	_ =	sdelay $0x3  }
0x97: {  	_ =	strace s4  }
0x98: {  	_ =	strace $0x8FFFFFFF  }
0x99: {  	s19 =	sld [smem:$0x3FDB];
	_ =	sdelay $0x1  }
0x9a: {  	s5 =	simm.s32 $_scs_section_size  }
0x9b: {  	s6 =	simm.s32 $_size__tile_overlayer_lowered;
	s7 =	simm.s32 $_tile_overlayer_lowered  }
0x9c: {  	s22 =	simm.s32 $0x1BFF;
	s21 =	sshll.u32 s7, $0x1;
	s4 =	sadd.s32 s5, s19  }
0x9d: {  	s8 =	simm.s32 $0x0;
	s20 =	sshll.u32 s6, $0x1;
	s6 =	sadd.s32 s21, s4  }
0x9e: {  	[timem:s8], [sflag:s22] =	dma.local [hbm:s6], s20  }
0x9f: {  	_ =	swait.ge [sflag:s22], s20  }
0xa0: {  	s5 =	ssub.s32 $0x0, s20;
	[sflag:s22] =	ssyncset.done $0x0  }
0xa1: {  	[sflag:s22] =	ssyncadd.s32 s5;
	_ =	sdelay $0x1  }
0xa2: {  	s23 =	simm.s32 $0x1B8B  }
0xa3: {  	_ =	swait.ge [sflag:s23], $0x1  }
0xa4: {  	[sflag:s23] =	ssyncset.done $0x0  }
0xa5: {  	s25 =	simm.s32 $0x1B8E;
	s24 =	sld [smem:$0x3FFE];
	[sflag:s23] =	ssyncadd.s32 $0xFFFFFFFF  }
0xa6: {  	s26 =	simm.s32 $execute0_lowered;
	[smem:$0x3FD2] =	sst s25  }
0xa7: {  	s6 =	sshll.u32 s26, $0x1;
	_ =	strace $0x80000046;
	[dreg:$0x1] =	wrdreg $0xFFFFFFFF  }
0xa8: {  	s28 =	simm.s32 $_size_execute0_lowered;
	s4 =	sadd.s32 s4, s6;
	[dreg:$0x0] =	wrdreg $0x0  }
0xa9: {  	s6 =	sshll.u32 s28, $0x1;
	[dreg:$0x2] =	wrdreg s4  }
0xaa: {  	[dreg:$0x3] =	wrdreg s6  }
0xab: {  	[dreg:$0x4] =	wrdreg $0xC0  }
0xac: {  	_ =	task [dreg:s8], $0x5FFFF  }
0xad: {  	[dreg:$0x1] =	wrdreg $0xFFFFFFFF  }
0xae: {  	[dreg:$0x0] =	wrdreg $0x60  }
0xaf: {  	[dreg:$0x2] =	wrdreg s2  }
0xb0: {  	[dreg:$0x3] =	wrdreg s18  }
0xb1: {  	[dreg:$0x4] =	wrdreg s24  }
0xb2: {  	[dreg:$0x5] =	wrdreg $0x9  }
0xb3: {  	_ =	task.clear_ibuf [dreg:s8], $0x6FFFF;
	_ =	strace $0x90000046  }
0xb4: {  	s29 =	simm.s32 $0x9;
	_ =	strace $0x80000048  }
0xb5: {  	_ =	swait.ge [sflag:s29], $0x1  }
0xb6: {  	[sflag:s29] =	ssyncadd.s32 $0xFFFFFFFF  }
0xb7: {  	_ =	strace $0x90000048  }
0xb8: {  	_ =	sfence  }
0xb9: {  	s30 =	sld [smem:$0x0];
	_ =	sdelay $0x2  }
0xba: {  	s31 =	sshll.u32 s1, $0xD;
	s1 =	sshrl.u32 s1, $0x2  }
0xbb: {  	s3 =	sand.u32 $0x4000, s31;
	s1 =	sadd.s32 s1, s30  }
0xbc: {  	s0 =	sor.u32 s3, s0;
	s1 =	sshll.u32 s1, $0x11  }
0xbd: {  	s0 =	sor.u32 s1, s0  }
0xbe: {  	s0 =	sadd.s32 $0x8F2B, s0  }
0xbf: {  	[sflag:s0] =	ssyncadd.remote.s32 $0x1  }
0xc0: {  	_ =	sfence.sel $0xFFFF  }
0xc1: {  	[dreg:$0x0] =	wrdreg $0xFFFFFFFF;
	(pc) =	sbr.abs _section_cstart, $3  }
0xc2: {  	[dreg:$0x1] =	wrdreg $0xFFFFFFFF  }
0xc3: {  	_ =	task.clear_ibuf [dreg:s8], $0x2FFFF;
	_ =	strace $0x9FFFFFFF  }
0xc4: {  	(tm) =	ssettm $0x7FFFFFFF  }
0xc5: {  	_ =	shalt  }
tec
execute0_lowered:
.L_overlay_start_1:
0x0: {  	(tag) =	ssettag $0x1  }
0x1: {  	s1 =	rddreg [dreg:$0x0];
	s2 =	srdreg.scid  }
0x2: {  	s0 =	stileid.u32;
	s4 =	rddreg [dreg:$0x1]  }
0x3: {  	s6 =	rddreg [dreg:$0x2];
	s3 =	simm.s32 $0x0;
	s12 =	simm.s32 $0x5C00  }
0x4: {  	s13 =	simm.s32 $0x1;
	s14 =	simm.s32 $0x100;
	s15 =	simm.s32 $0x9C00  }
0x5: {  	s16 =	simm.s32 $0x180;
	s17 =	simm.s32 $0xDC00;
	s18 =	simm.s32 $0x2  }
0x6: {  	s19 =	simm.s32 $0x0;
	s5 =	sand.u32 $0x1, s2;
	s2 =	rddreg [dreg:$0x3]  }
0x7: {  	s29 =	sshll.u32 s0, $0x1;
	[smem:$0x7FF] =	sst s3;
	s9 =	smul.u32 $0x190000, s0  }
0x8: {  	s7 =	sor.u32 s5, s29;
	s10 =	ssub.s32 $0x2, s5;
	s5 =	smul.u32 $0xC8000, s5  }
0x9: {  	s11 =	sadd.s32 $0xC00, s6;
	s8 =	smul.u32 $0xC8000, s7;
	s30 =	sshrl.u32 s10, $0x1  }
0xa: {  	_ =	strace $0x80000047;
	s7 =	smul.u32 $0x380, s7;
	s6 =	ssub.s32 s10, s30  }
0xb: {  	s9 =	sadd.s32 s5, s9;
	s10 =	simm.s32 $0x80;
	s8 =	sshrl.u32 s8, $0x3  }
0xc: {  	s4 =	sadd.s32 s4, s7;
	s31 =	sadd.s32 $0x10000, s9;
	s6 =	smax.u32 s6, $0x1  }
0xd: {  	s9 =	simm.s32 $0x3;
	s5 =	sadd.s32 s11, s8;
	s8 =	sshrl.u32 s31, $0x3  }
0xe: {  	s7 =	sadd.s32 $0x1000, s5;
	s8 =	sadd.s32 s8, s11;
	s11 =	simm.s32 $0x1C00  }
.LBB2_1:
0xf: {  	[tilespmem:s3], [sflag:$0x3] =	stream.linear.gather [hbm4b:s4+s3], $0x1900, $0x38;
	[tilespmem:$0x11C00] =	vst v63  }
0x10: {  	_ =	swait.ge [sflag:s9], $0x1900  }
0x11: {  	[sflag:s9] =	ssyncset.done $0x0  }
0x12: {  	[sflag:s9] =	ssyncadd.s32 $0xFFFFE700  }
0x13: {  	[tilespmem:s11], [sflag:$0x1] =	stream.indirect.gather [hbm4b:s1+s10], $0x80, s3, s10, $0xb8;
	[tilespmem:$0x11C00] =	vst v63  }
0x14: {  	_ = 	snop  }
0x15: {  	[tilespmem:s12], [sflag:$0x1] =	stream.indirect.gather [hbm4b:s1+s10], $0x80, s10, s10, $0xb8;
	[tilespmem:$0x11C00] =	vst v63  }
0x16: {  	_ =	swait.ge [sflag:s13], $0x4000  }
0x17: {  	[sflag:s13] =	ssyncset.done $0x0  }
0x18: {  	[sflag:s13] =	ssyncadd.s32 $0xFFFFC000  }
0x19: {  	_ =	swait.ge [sflag:s13], $0x4000  }
0x1a: {  	[sflag:s13] =	ssyncset.done $0x0  }
0x1b: {  	[sflag:s13] =	ssyncadd.s32 $0xFFFFC000  }
0x1c: {  	[hbm4b:s5+s3] =	stream.linear.scatter [tilespmem:s11], [sflag:$0x2], $0x8000, $0x38;
	[tilespmem:$0x11C00] =	vst v63  }
0x1d: {  	_ = 	snop  }
0x1e: {  	[tilespmem:s15], [sflag:$0x1] =	stream.indirect.gather [hbm4b:s1+s10], $0x80, s14, s10, $0xb8;
	[tilespmem:$0x11C00] =	vst v63  }
0x1f: {  	_ = 	snop  }
0x20: {  	[tilespmem:s17], [sflag:$0x1] =	stream.indirect.gather [hbm4b:s1+s10], $0x80, s16, s10, $0xb8;
	[tilespmem:$0x11C00] =	vst v63  }
0x21: {  	_ =	swait.ge [sflag:s13], $0x4000  }
0x22: {  	[sflag:s13] =	ssyncset.done $0x0  }
0x23: {  	[sflag:s13] =	ssyncadd.s32 $0xFFFFC000  }
0x24: {  	_ =	swait.ge [sflag:s13], $0x4000  }
0x25: {  	[sflag:s13] =	ssyncset.done $0x0  }
0x26: {  	[sflag:s13] =	ssyncadd.s32 $0xFFFFC000  }
0x27: {  	[hbm4b:s7+s3] =	stream.linear.scatter [tilespmem:s15], [sflag:$0x2], $0x8000, $0x38;
	[tilespmem:$0x11C00] =	vst v63  }
0x28: {  	s20 =	simm.s32 $0x10000;
	_ =	swait.ge [sflag:s18], $0x8000  }
0x29: {  	s21 =	sand.u32 $0x8000, s20;
	[sflag:s18] =	ssyncset.done $0x0  }
0x2a: {  	s22 =	simm.s32 $0x200;
	s20 =	sor.u32 $0x1C00, s21;
	[sflag:s18] =	ssyncadd.s32 $0xFFFF8000  }
0x2b: {  	[tilespmem:s20], [sflag:$0x1] =	stream.indirect.gather [hbm4b:s1+s10], $0x80, s22, s10, $0xb8;
	[tilespmem:$0x11C00] =	vst v63  }
0x2c: {  	s31 =	simm.s32 $0x280;
	s21 =	sor.u32 $0x5C00, s21  }
0x2d: {  	[tilespmem:s21], [sflag:$0x1] =	stream.indirect.gather [hbm4b:s1+s10], $0x80, s31, s10, $0xb8;
	[tilespmem:$0x11C00] =	vst v63  }
0x2e: {  	_ =	swait.ge [sflag:s13], $0x4000  }
0x2f: {  	[sflag:s13] =	ssyncset.done $0x0  }
0x30: {  	[sflag:s13] =	ssyncadd.s32 $0xFFFFC000  }
0x31: {  	_ =	swait.ge [sflag:s13], $0x4000  }
0x32: {  	s23 =	simm.s32 $0x380;
	s24 =	smov.u32 s8;
	[sflag:s13] =	ssyncset.done $0x0  }
0x33: {  	s22 =	sadd.s32 $0x1000, s8;
	s21 =	simm.s32 $0x60000;
	[sflag:s13] =	ssyncadd.s32 $0xFFFFC000  }
.LBB2_2:
0x34: {  	[hbm4b:s24+s3] =	stream.linear.scatter [tilespmem:s20], [sflag:$0x2], $0x8000, $0x38;
	[tilespmem:$0x11C00] =	vst v63  }
0x35: {  	s20 =	sshrl.u32 s21, $0x2;
	p0 =	sne.s32 s21, $0x300000;
	_ =	swait.ge [sflag:s18], $0x8000  }
0x36: {  	s21 =	sadd.s32 $0x20000, s21;
	s24 =	sand.u32 $0x8000, s20;
	[sflag:s18] =	ssyncset.done $0x0  }
0x37: {  	s25 =	sadd.s32 $0xFFFFFF80, s23;
	s20 =	sor.u32 $0x1C00, s24;
	[sflag:s18] =	ssyncadd.s32 $0xFFFF8000  }
0x38: {  	[tilespmem:s20], [sflag:$0x1] =	stream.indirect.gather [hbm4b:s1+s10], $0x80, s25, s10, $0xb8;
	[tilespmem:$0x11C00] =	vst v63  }
0x39: {  	s25 =	sor.u32 $0x5C00, s24;
	s24 =	smov.u32 s22  }
0x3a: {  	[tilespmem:s25], [sflag:$0x1] =	stream.indirect.gather [hbm4b:s1+s10], $0x80, s23, s10, $0xb8;
	[tilespmem:$0x11C00] =	vst v63  }
0x3b: {  	_ =	swait.ge [sflag:s13], $0x4000  }
.Ltmp0:
0x3c: {  	[sflag:s13] =	ssyncset.done $0x0;
	(pc) =	sbr.rel @p0 .LBB2_2-.Ltmp0, $4  }
0x3d: {  	[sflag:s13] =	ssyncadd.s32 $0xFFFFC000  }
0x3e: {  	_ =	swait.ge [sflag:s13], $0x4000  }
0x3f: {  	[sflag:s13] =	ssyncset.done $0x0  }
0x40: {  	s22 =	sadd.s32 $0x1000, s22;
	s23 =	sadd.s32 $0x100, s23;
	[sflag:s13] =	ssyncadd.s32 $0xFFFFC000  }
0x41: {  	[hbm4b:s24+s3] =	stream.linear.scatter [tilespmem:s20], [sflag:$0x2], $0x8000, $0x38;
	[tilespmem:$0x11C00] =	vst v63  }
0x42: {  	s19 =	sadd.s32 $0x1, s19  }
0x43: {  	_ =	swait.ge [sflag:s18], $0x8000;
	p0 =	sne.s32 s19, s6  }
.Ltmp1:
0x44: {  	[sflag:s18] =	ssyncset.done $0x0;
	(pc) =	sbr.rel @p0 .LBB2_1-.Ltmp1, $4  }
0x45: {  	[sflag:s18] =	ssyncadd.s32 $0xFFFF8000  }
0x46: {  	_ =	swait.ge [sflag:s18], $0x8000  }
0x47: {  	[sflag:s18] =	ssyncset.done $0x0  }
0x48: {  	[sflag:s18] =	ssyncadd.s32 $0xFFFF8000  }
0x49: {  	_ =	sfence.sel $0x180000  }
0x4a: {  	[bflag:$0x0] =	sbarrier.arrive $0xFFFF  }
0x4b: {  	p0 =	sne.s32 s0, $0x0;
	_ =	strace $0x90000047  }
0x4c: {  	s0 =	sadd.s32 @!p0 $0x100000, s2;
	[bflag:$0x2] =	sbarrier.arrive $0xFFFF  }
0x4d: {  	[sflag:s0] =	ssyncadd.tile.s32 @!p0 $0x1;
	_ =	shalt  }
.Lfunc_end2:
_tile_overlayer_lowered:
.L_overlay_start_2:
0x4e: {  	(tag) =	ssettag $0x2  }
0x4f: {  	s0 =	rddreg [dreg:$0x0];
	s2 =	stileid.u32  }
0x50: {  	s1 =	rddreg [dreg:$0x1];
	p0 =	sne.s32 s2, $0x0  }
0x51: {  	s3 =	rddreg [dreg:$0x2];
	[bflag:$0x3] =	sbarrier.arrive $0xFFFF;
	s2 =	simm.s32 @!p0 $0x1C03  }
0x52: {  	[timem:s3], [sflag:s2] =	dma.local @!p0 [hbm:s0], s1  }
0x53: {  	s0 =	simm.s32 @!p0 $0x3  }
0x54: {  	_ =	swait.ge @!p0 [sflag:s0], s1  }
0x55: {  	s1 =	ssub.s32 @!p0 $0x0, s1;
	[sflag:s0] =	ssyncset.done @!p0 $0x0  }
0x56: {  	[sflag:s0] =	ssyncadd.s32 @!p0 s1  }
0x57: {  	[bflag:$0x3] =	sbarrier.arrive $0xFFFF  }
0x58: {  	_ =	shalt  }

</sc_bundles>
